<compile_context>
chip_gen: v7x
topology: tpu7x:2x2x1
jax: 0.10.2.dev20260603
libtpu: 0.0.44.dev20260713+nightly
codegen_flags: <defaults>
</compile_context>

<pallas_src>
import functools
import jax
import jax.numpy as jnp
from jax import lax
from jax.experimental import pallas as pl
from jax.experimental.pallas import tpu as pltpu
from jax.experimental.pallas import tpu_sc as plsc

DEPTH = 1000
ROWS = 81920
NW = 32
ROWS_PER_W = ROWS // NW
CHUNK_ROWS = 128
CHUNK_WORDS = CHUNK_ROWS * DEPTH
NCHUNK = ROWS_PER_W // CHUNK_ROWS


def _sc_body(idx_hbm, out_hbm, idx_v, buf_v, sem):
    wid = lax.axis_index("s") * 2 + lax.axis_index("c")
    base_row = wid * ROWS_PER_W

    pltpu.sync_copy(idx_hbm.at[pl.ds(base_row, ROWS_PER_W)], idx_v)

    def zero_body(i, _):
        buf_v[pl.ds(i * 16, 16)] = jnp.zeros((16,), jnp.float32)
        return 0
    lax.fori_loop(0, CHUNK_WORDS // 16, zero_body, 0)

    lane = lax.iota(jnp.int32, 16)

    def chunk_body(k, _):
        def ones_body(j, _):
            idxs = idx_v[pl.ds(k * CHUNK_ROWS + j * 16, 16)]
            offs = (j * 16 + lane) * DEPTH + idxs
            plsc.store_scatter(buf_v, [offs], jnp.ones((16,), jnp.float32))
            return 0
        lax.fori_loop(0, CHUNK_ROWS // 16, ones_body, 0)

        dst0 = (base_row + k * CHUNK_ROWS) * DEPTH
        pltpu.async_copy(
            buf_v, out_hbm.at[pl.ds(dst0, CHUNK_WORDS)], sem
        ).wait()

        def clear_body(j, _):
            idxs = idx_v[pl.ds(k * CHUNK_ROWS + j * 16, 16)]
            offs = (j * 16 + lane) * DEPTH + idxs
            plsc.store_scatter(buf_v, [offs], jnp.zeros((16,), jnp.float32))
            return 0
        lax.fori_loop(0, CHUNK_ROWS // 16, clear_body, 0)
        return 0

    lax.fori_loop(0, NCHUNK, chunk_body, 0)


def kernel(inputs):
    n, m = inputs.shape
    idx_flat = inputs.reshape(ROWS)
    mesh = plsc.VectorSubcoreMesh(core_axis_name="c", subcore_axis_name="s")
    k = functools.partial(
        pl.kernel,
        mesh=mesh,
        out_type=jax.ShapeDtypeStruct((ROWS * DEPTH,), jnp.float32),
        scratch_types=[
            pltpu.VMEM((ROWS_PER_W,), jnp.int32),
            pltpu.VMEM((CHUNK_WORDS,), jnp.float32),
            pltpu.SemaphoreType.DMA,
        ],
        compiler_params=pltpu.CompilerParams(needs_layout_passes=False),
    )(_sc_body)
    out = k(idx_flat)
    return out.reshape(n, m, DEPTH)

# --- scband reference (transcript-rebuilt; emitter-appended) ---
"""Pipeline reference for scband-one-hot-encoding-31688268710649 (READ-ONLY COPY).

The authoritative reference and input builder live on the scoring server;
editing this copy changes nothing except your own understanding.
"""

import jax, jax.numpy as jnp
import numpy as np

DEPTH = 1000

def setup_inputs(seed: int = 0) -> dict:
    key = jax.random.key(seed)
    inputs = jax.random.randint(key, (4096, 20), 0, DEPTH, dtype=jnp.int64)
    return {"inputs": inputs}

def reference(inputs) -> jnp.ndarray:
    # Faithful translation of tf.one_hot(inputs, depth, on_value=None, off_value=None,
    # axis=None -> new innermost axis, dtype=float32).
    # on_value defaults to 1, off_value defaults to 0.
    depth = DEPTH
    iota = jnp.arange(depth, dtype=inputs.dtype)
    # inputs[..., None] == iota  -> one-hot on new innermost axis
    onehot = (inputs[..., None] == iota).astype(jnp.float32)
    return onehot

if __name__ == "__main__":
    import jax
    _d = setup_inputs()
    print(jax.jit(kernel)(*tuple(_d.values())))

</pallas_src>

<mosaic_0001>
#map = affine_map<(d0, d1) -> (0)>
module attributes {stable_mosaic.version = 14 : i64} {
  func.func @_sc_body(%arg0: i32, %arg1: i32, %arg2: memref<81920xi32, #tpu.memory_space<hbm>>, %arg3: memref<81920000xf32, #tpu.memory_space<hbm>>, %arg4: memref<2560xi32, #tpu.memory_space<vmem>>, %arg5: memref<128000xf32, #tpu.memory_space<vmem>>, %arg6: memref<!tpu.dma_semaphore, #tpu.memory_space<semaphore_mem>>) attributes {dimension_semantics = [#tpu.dimension_semantics<core_parallel>, #tpu.dimension_semantics<subcore_parallel>], iteration_bounds = array<i64: 2, 16>, scalar_prefetch = 0 : i64, scratch_operands = 3 : i64, tpu.core_type = #tpu.core_type<sc_vector_subcore>, window_params = [{transform_indices = #map}, {transform_indices = #map}]} {
    %mul3A = arith.constant 2 : i32
    %mul3A_0 = arith.muli %arg1, %mul3A : i32
    %add3A = arith.addi %mul3A_0, %arg0 : i32
    %mul3A_1 = arith.constant 2560 : i32
    %mul3A_2 = arith.muli %add3A, %mul3A_1 : i32
    "tpu.region"() ({
      %run_scoped3A = tpu.sem_alloc : memref<!tpu.dma_semaphore, #tpu.memory_space<semaphore_mem>>
      %dma_start3A = tpu.memref_slice %arg2[%mul3A_2] : memref<81920xi32, #tpu.memory_space<hbm>> -> memref<2560xi32, #tpu.memory_space<hbm>>
      %dma_start3A_16 = tpu.memref_slice %arg2[%mul3A_2] : memref<81920xi32, #tpu.memory_space<hbm>> -> memref<2560xi32, #tpu.memory_space<hbm>>
      tpu.enqueue_dma source(%dma_start3A_16 : memref<2560xi32, #tpu.memory_space<hbm>>) target(%arg4 : memref<2560xi32, #tpu.memory_space<vmem>>) target_semaphore(%run_scoped3A : memref<!tpu.dma_semaphore, #tpu.memory_space<semaphore_mem>>)
      %dma_wait3A = tpu.memref_slice %arg2[%mul3A_2] : memref<81920xi32, #tpu.memory_space<hbm>> -> memref<2560xi32, #tpu.memory_space<hbm>>
      %dma_wait3A_17 = tpu.memref_slice %arg2[%mul3A_2] : memref<81920xi32, #tpu.memory_space<hbm>> -> memref<2560xi32, #tpu.memory_space<hbm>>
      tpu.wait_dma2 semaphore(%run_scoped3A : memref<!tpu.dma_semaphore, #tpu.memory_space<semaphore_mem>>) src(%dma_wait3A_17 : memref<2560xi32, #tpu.memory_space<hbm>>) dst(%arg4 : memref<2560xi32, #tpu.memory_space<vmem>>)
      tpu.yield
    }) : () -> ()
    %scan3A = arith.constant 0 : i32
    %scan3A_3 = arith.constant 0 : i32
    %scan3A_4 = arith.constant 8000 : i32
    %scan3A_5 = arith.addi %scan3A_3, %scan3A_4 : i32
    %scan3A_6 = arith.constant 1 : i32
    %scan3A_7 = scf.for %scan3A_16 = %scan3A_3 to %scan3A_5 step %scan3A_6 iter_args(%scan3A_17 = %scan3A) -> (i32)  : i32 {
      %broadcast_in_dim3A = arith.constant 0.000000e+00 : f32
      %broadcast_in_dim3A_18 = vector.broadcast %broadcast_in_dim3A : f32 to vector<16xf32>
      %mul3A_19 = arith.constant 16 : i32
      %mul3A_20 = arith.muli %scan3A_16, %mul3A_19 : i32
      %swap3A = arith.index_cast %mul3A_20 : i32 to index
      %swap3A_21 = tpu.vector_load %arg5[%swap3A] {strides = array<i32>} : memref<128000xf32, #tpu.memory_space<vmem>>, vector<16xf32>,
      tpu.vector_store %arg5[%swap3A], %broadcast_in_dim3A_18 {strides = array<i32>} : memref<128000xf32, #tpu.memory_space<vmem>>, vector<16xf32>,
      %scan3A_22 = arith.constant 0 : i32
      scf.yield %scan3A_22 : i32
    }
    %scan3A_8 = arith.constant 8000 : i32
    %iota3A = tpu.iota {dimensions = array<i32: 0>} : vector<16xi32>
    %scan3A_9 = arith.constant 0 : i32
    %scan3A_10 = arith.constant 0 : i32
    %scan3A_11 = arith.constant 20 : i32
    %scan3A_12 = arith.addi %scan3A_10, %scan3A_11 : i32
    %scan3A_13 = arith.constant 1 : i32
    %scan3A_14 = scf.for %scan3A_16 = %scan3A_10 to %scan3A_12 step %scan3A_13 iter_args(%scan3A_17 = %scan3A_9) -> (i32)  : i32 {
      %scan3A_18 = arith.constant 0 : i32
      %scan3A_19 = arith.constant 0 : i32
      %scan3A_20 = arith.constant 8 : i32
      %scan3A_21 = arith.addi %scan3A_19, %scan3A_20 : i32
      %scan3A_22 = arith.constant 1 : i32
      %scan3A_23 = scf.for %scan3A_40 = %scan3A_19 to %scan3A_21 step %scan3A_22 iter_args(%scan3A_41 = %scan3A_18) -> (i32)  : i32 {
        %mul3A_42 = arith.constant 128 : i32
        %mul3A_43 = arith.muli %scan3A_16, %mul3A_42 : i32
        %mul3A_44 = arith.constant 16 : i32
        %mul3A_45 = arith.muli %scan3A_40, %mul3A_44 : i32
        %add3A_46 = arith.addi %mul3A_43, %mul3A_45 : i32
        %get3A = arith.index_cast %add3A_46 : i32 to index
        %get3A_47 = tpu.vector_load %arg4[%get3A] {strides = array<i32>} : memref<2560xi32, #tpu.memory_space<vmem>>, vector<16xi32>,
        %mul3A_48 = arith.constant 16 : i32
        %mul3A_49 = arith.muli %scan3A_40, %mul3A_48 : i32
        %add3A_50 = vector.broadcast %mul3A_49 : i32 to vector<16xi32>
        %add3A_51 = arith.addi %add3A_50, %iota3A : vector<16xi32>
        %mul3A_52 = arith.constant 1000 : i32
        %mul3A_53 = vector.broadcast %mul3A_52 : i32 to vector<16xi32>
        %mul3A_54 = arith.muli %add3A_51, %mul3A_53 : vector<16xi32>
        %add3A_55 = arith.addi %mul3A_54, %get3A_47 : vector<16xi32>
        %broadcast_in_dim3A = arith.constant 1.000000e+00 : f32
        %broadcast_in_dim3A_56 = vector.broadcast %broadcast_in_dim3A : f32 to vector<16xf32>
        tpu.vector_store_idx %arg5[%add3A_55], %broadcast_in_dim3A_56 : memref<128000xf32, #tpu.memory_space<vmem>>[vector<16xi32>], vector<16xf32>,
        %scan3A_57 = arith.constant 0 : i32
        scf.yield %scan3A_57 : i32
      }
      %scan3A_24 = arith.constant 8 : i32
      %mul3A_25 = arith.constant 128 : i32
      %mul3A_26 = arith.muli %scan3A_16, %mul3A_25 : i32
      %add3A_27 = arith.addi %mul3A_2, %mul3A_26 : i32
      %mul3A_28 = arith.constant 1000 : i32
      %mul3A_29 = arith.muli %add3A_27, %mul3A_28 : i32
      %dma_start3A = tpu.memref_slice %arg3[%mul3A_29] : memref<81920000xf32, #tpu.memory_space<hbm>> -> memref<128000xf32, #tpu.memory_space<hbm>>
      %dma_start3A_30 = tpu.memref_slice %arg3[%mul3A_29] : memref<81920000xf32, #tpu.memory_space<hbm>> -> memref<128000xf32, #tpu.memory_space<hbm>>
      tpu.enqueue_dma source(%arg5 : memref<128000xf32, #tpu.memory_space<vmem>>) target(%dma_start3A_30 : memref<128000xf32, #tpu.memory_space<hbm>>) target_semaphore(%arg6 : memref<!tpu.dma_semaphore, #tpu.memory_space<semaphore_mem>>)
      %dma_wait3A = tpu.memref_slice %arg3[%mul3A_29] : memref<81920000xf32, #tpu.memory_space<hbm>> -> memref<128000xf32, #tpu.memory_space<hbm>>
      %dma_wait3A_31 = tpu.memref_slice %arg3[%mul3A_29] : memref<81920000xf32, #tpu.memory_space<hbm>> -> memref<128000xf32, #tpu.memory_space<hbm>>
      tpu.wait_dma2 semaphore(%arg6 : memref<!tpu.dma_semaphore, #tpu.memory_space<semaphore_mem>>) src(%arg5 : memref<128000xf32, #tpu.memory_space<vmem>>) dst(%dma_wait3A_31 : memref<128000xf32, #tpu.memory_space<hbm>>)
      %scan3A_32 = arith.constant 0 : i32
      %scan3A_33 = arith.constant 0 : i32
      %scan3A_34 = arith.constant 8 : i32
      %scan3A_35 = arith.addi %scan3A_33, %scan3A_34 : i32
      %scan3A_36 = arith.constant 1 : i32
      %scan3A_37 = scf.for %scan3A_40 = %scan3A_33 to %scan3A_35 step %scan3A_36 iter_args(%scan3A_41 = %scan3A_32) -> (i32)  : i32 {
        %mul3A_42 = arith.constant 128 : i32
        %mul3A_43 = arith.muli %scan3A_16, %mul3A_42 : i32
        %mul3A_44 = arith.constant 16 : i32
        %mul3A_45 = arith.muli %scan3A_40, %mul3A_44 : i32
        %add3A_46 = arith.addi %mul3A_43, %mul3A_45 : i32
        %get3A = arith.index_cast %add3A_46 : i32 to index
        %get3A_47 = tpu.vector_load %arg4[%get3A] {strides = array<i32>} : memref<2560xi32, #tpu.memory_space<vmem>>, vector<16xi32>,
        %mul3A_48 = arith.constant 16 : i32
        %mul3A_49 = arith.muli %scan3A_40, %mul3A_48 : i32
        %add3A_50 = vector.broadcast %mul3A_49 : i32 to vector<16xi32>
        %add3A_51 = arith.addi %add3A_50, %iota3A : vector<16xi32>
        %mul3A_52 = arith.constant 1000 : i32
        %mul3A_53 = vector.broadcast %mul3A_52 : i32 to vector<16xi32>
        %mul3A_54 = arith.muli %add3A_51, %mul3A_53 : vector<16xi32>
        %add3A_55 = arith.addi %mul3A_54, %get3A_47 : vector<16xi32>
        %broadcast_in_dim3A = arith.constant 0.000000e+00 : f32
        %broadcast_in_dim3A_56 = vector.broadcast %broadcast_in_dim3A : f32 to vector<16xf32>
        tpu.vector_store_idx %arg5[%add3A_55], %broadcast_in_dim3A_56 : memref<128000xf32, #tpu.memory_space<vmem>>[vector<16xi32>], vector<16xf32>,
        %scan3A_57 = arith.constant 0 : i32
        scf.yield %scan3A_57 : i32
      }
      %scan3A_38 = arith.constant 8 : i32
      %scan3A_39 = arith.constant 0 : i32
      scf.yield %scan3A_39 : i32
    }
    %scan3A_15 = arith.constant 20 : i32
    return
  }
}

</mosaic_0001>

<sc_bundles>
// kernel: kernel.3.cloned.1.call-start
scs
__scs_entry_jumppad:
0x0: {  	(pc) =	sbr.rel $0x88, $3  }
0x1: {  	(tag) =	ssettag $0x0;
	lr =	simm.s32 $0x1  }
0x2: {  	[smem:$0x3FA0] =	sst lr;
	_ =	strace $0xD0000000  }
0x3: {  	_ = 	snop  }
0x4: {  	_ = 	snop  }
0x5: {  	_ = 	snop  }
0x6: {  	_ = 	snop  }
0x7: {  	_ = 	snop  }
__scs_overlays_trampoline_lowered:
0x8: {  	[smem:$0x3FAF] =	sst s0  }
0x9: {  	[smem:$0x3FB0] =	sst s1  }
0xa: {  	[smem:$0x3FB1] =	sst s2  }
0xb: {  	[smem:$0x3FB2] =	sst s3  }
0xc: {  	[smem:$0x3FB3] =	sst s4  }
0xd: {  	[smem:$0x3FB4] =	sst s5  }
0xe: {  	[smem:$0x3FB5] =	sst s6  }
0xf: {  	[smem:$0x3FB6] =	sst s7  }
0x10: {  	[smem:$0x3FB7] =	sst s8  }
0x11: {  	[smem:$0x3FB8] =	sst s9;
	s0 =	simm.s32 @!p0 $0x0  }
0x12: {  	s1 =	sld [smem:$0x3F9E];
	s0 =	simm.s32 @p0 $0x1  }
0x13: {  	[smem:$0x3FB9] =	sst s0;
	s0 =	simm.s32 @!p1 $0x0  }
0x14: {  	s2 =	sld [smem:$0x3F9D];
	s0 =	simm.s32 @p1 $0x1  }
0x15: {  	[smem:$0x3FBA] =	sst s0;
	s0 =	simm.s32 @!p2 $0x0  }
0x16: {  	s3 =	sld [smem:$0x3FDB];
	s0 =	simm.s32 @p2 $0x1  }
0x17: {  	s4 =	simm.s32 $0x1BF5;
	[smem:$0x3FBC] =	sst s0  }
0x18: {  	s0 =	sld [smem:$0x3F9F];
	_ =	swait.ge [sflag:s4], $0x0  }
0x19: {  	s7 =	sld [smem:$0x3FA0]  }
0x1a: {  	s8 =	sadd.s32 $0xFFFFE003, lr  }
0x1b: {  	s9 =	sadd.s32 $0xFFFFFEF7, lr;
	s5 =	simm.s32 $0xFFFFFFFF;
	p2 =	slt.u32 s8, $0xFFFFF086  }
0x1c: {  	p1 =	slt.u32 s9, $0xF7A;
	s5 =	simm.s32 @!p2 $0x0  }
0x1d: {  	s5 =	simm.s32 @p1 $0x1;
	p0 =	seq.s32 s7, s2  }
0x1e: {  	s7 =	smul.u32 @!p0 $0xF7A, s2;
	p2 =	seq.s32 @!p0 s5, $0x0  }
0x1f: {  	s9 =	smul.u32 $0xF7A, s1;
	s8 =	simm.s32 @!p0 $0x1BF5;
	p2 =	por !p2, p0  }
0x20: {  	[sflag:s8] =	ssyncset.s32 @!p0 $0xFFFFF086;
	s6 =	sadd.s32 @!p0 s3, s7;
	s7 =	simm.s32 @!p0 $0x108  }
0x21: {  	s3 =	sadd.s32 s3, s9;
	s6 =	sadd.s32 @!p0 $0x88, s6;
	s7 =	simm.s32 @p2 $0x1082  }
0x22: {  	[simem:s7], [sflag:s8] =	dma.local @!p0 [hbm:s6], $0xF7A  }
0x23: {  	s9 =	sor.u32 $0xD0000000, s2;
	s6 =	simm.s32 $0x108;
	_ =	swait.ge @!p0 [sflag:s8], $0x0  }
0x24: {  	s3 =	sadd.s32 $0x88, s3;
	s6 =	simm.s32 @!p1 $0x1082;
	[sflag:s4] =	ssyncset.s32 $0xFFFFF086  }
0x25: {  	[simem:s6], [sflag:s4] =	dma.local [hbm:s3], $0xF7A  }
0x26: {  	[smem:$0x3FA0] =	sst s1;
	(tag) =	ssettag s2;
	_ =	strace s9  }
0x27: {  	s1 =	sld [smem:$0x3FB0]  }
0x28: {  	s2 =	sld [smem:$0x3FB1]  }
0x29: {  	s4 =	sld [smem:$0x3FB3]  }
0x2a: {  	p0 =	seq.s32 s5, $0x0;
	s5 =	sld [smem:$0x3FB4]  }
0x2b: {  	s6 =	sld [smem:$0x3FB5]  }
0x2c: {  	s7 =	sld [smem:$0x3FB6]  }
0x2d: {  	s3 =	simm.s32 $0x108;
	s8 =	sld [smem:$0x3FB7]  }
0x2e: {  	s3 =	simm.s32 @!p0 $0x1082;
	s9 =	sld [smem:$0x3FB8]  }
0x2f: {  	lr =	sadd.s32 s0, s3;
	s0 =	sld [smem:$0x3FAF]  }
0x30: {  	s3 =	sld [smem:$0x3FB2]  }
0x31: {  	[smem:$0x3FBB] =	sst s10  }
0x32: {  	s10 =	sld [smem:$0x3FB9];
	_ =	sdelay $0x3  }
0x33: {  	p0 =	seq.s32 s10, $0x1;
	s10 =	sld [smem:$0x3FBB];
	_ =	sdelay $0x3  }
0x34: {  	[smem:$0x3FBB] =	sst s10  }
0x35: {  	s10 =	sld [smem:$0x3FBA];
	_ =	sdelay $0x3  }
0x36: {  	p1 =	seq.s32 s10, $0x1;
	s10 =	sld [smem:$0x3FBB];
	_ =	sdelay $0x3  }
0x37: {  	[smem:$0x3FBB] =	sst s10  }
0x38: {  	s10 =	sld [smem:$0x3FBC]  }
0x39: {  	_ = 	snop;
	(pc) =	sbr.ind lr, $3  }
0x3a: {  	_ = 	snop  }
0x3b: {  	_ = 	snop  }
0x3c: {  	p2 =	seq.s32 s10, $0x1;
	s10 =	sld [smem:$0x3FBB]  }
0x3d: {  	_ =	shalt  }
0x3e: {  	_ =	shalt  }
0x3f: {  	_ =	shalt  }
0x40: {  	_ =	shalt  }
0x41: {  	_ =	shalt  }
0x42: {  	_ =	shalt  }
0x43: {  	_ =	shalt  }
0x44: {  	_ =	shalt  }
0x45: {  	_ =	shalt  }
0x46: {  	_ =	shalt  }
0x47: {  	_ =	shalt  }
0x48: {  	_ =	shalt  }
0x49: {  	_ =	shalt  }
0x4a: {  	_ =	shalt  }
0x4b: {  	_ =	shalt  }
0x4c: {  	_ =	shalt  }
0x4d: {  	_ =	shalt  }
0x4e: {  	_ =	shalt  }
0x4f: {  	_ =	shalt  }
0x50: {  	_ =	shalt  }
0x51: {  	_ =	shalt  }
0x52: {  	_ =	shalt  }
0x53: {  	_ =	shalt  }
0x54: {  	_ =	shalt  }
0x55: {  	_ =	shalt  }
0x56: {  	_ =	shalt  }
0x57: {  	_ =	shalt  }
0x58: {  	_ =	shalt  }
0x59: {  	_ =	shalt  }
0x5a: {  	_ =	shalt  }
0x5b: {  	_ =	shalt  }
0x5c: {  	_ =	shalt  }
0x5d: {  	_ =	shalt  }
0x5e: {  	_ =	shalt  }
0x5f: {  	_ =	shalt  }
0x60: {  	_ =	shalt  }
0x61: {  	_ =	shalt  }
0x62: {  	_ =	shalt  }
0x63: {  	_ =	shalt  }
0x64: {  	_ =	shalt  }
0x65: {  	_ =	shalt  }
0x66: {  	_ =	shalt  }
0x67: {  	_ =	shalt  }
0x68: {  	_ =	shalt  }
0x69: {  	_ =	shalt  }
0x6a: {  	_ =	shalt  }
0x6b: {  	_ =	shalt  }
0x6c: {  	_ =	shalt  }
0x6d: {  	_ =	shalt  }
0x6e: {  	_ =	shalt  }
0x6f: {  	_ =	shalt  }
0x70: {  	_ =	shalt  }
0x71: {  	_ =	shalt  }
0x72: {  	_ =	shalt  }
0x73: {  	_ =	shalt  }
0x74: {  	_ =	shalt  }
0x75: {  	_ =	shalt  }
0x76: {  	_ =	shalt  }
0x77: {  	_ =	shalt  }
0x78: {  	_ =	shalt  }
0x79: {  	_ =	shalt  }
0x7a: {  	_ =	shalt  }
0x7b: {  	_ =	shalt  }
0x7c: {  	_ =	shalt  }
0x7d: {  	_ =	shalt  }
0x7e: {  	_ =	shalt  }
0x7f: {  	_ =	shalt  }
0x80: {  	_ =	shalt  }
0x81: {  	_ =	shalt  }
0x82: {  	_ =	shalt  }
0x83: {  	_ =	shalt  }
0x84: {  	_ =	shalt  }
0x85: {  	_ =	shalt  }
0x86: {  	_ =	shalt  }
0x87: {  	_ =	shalt  }
.Lfunc_end0:
.L_simem_size_0:
called_computation.1_lowered:
.L_overlay_start_0:
0x88: {  	s2 =	sld [smem:$0x3FD9]  }
0x89: {  	s3 =	sld [smem:$0x3FFE];
	_ =	sdelay $0x1  }
0x8a: {  	s1 =	srdreg.scid  }
0x8b: {  	s0 =	sand.u32 $0x1, s1  }
0x8c: {  	s17 =	sshll.u32 s0, $0xA;
	s2 =	sadd.s32 s3, s2  }
0x8d: {  	s2 =	sadd.s32 s2, s17  }
0x8e: {  	[smem:$0x3FC7] =	sst s2  }
0x8f: {  	_ = 	snop  }
0x90: {  	s2 =	sld [smem:$0x3FD0];
	(tm) =	ssettm $0x1  }
0x91: {  	s18 =	sld [smem:$0x3FFB];
	_ =	sdelay $0x3  }
0x92: {  	_ =	strace s18  }
0x93: {  	s3 =	sld [smem:$0x3FFC];
	_ =	sdelay $0x3  }
0x94: {  	_ =	strace s3  }
0x95: {  	s3 =	sld [smem:$0x3FFD];
	_ =	sdelay $0x3  }
0x96: {  	_ =	strace s3  }
0x97: {  	_ =	strace $0x8FFFFFFF  }
0x98: {  	s19 =	sld [smem:$0x3FDB];
	_ =	sdelay $0x1  }
0x99: {  	s4 =	simm.s32 $_scs_section_size  }
0x9a: {  	s5 =	simm.s32 $_size__tile_overlayer_lowered;
	s6 =	simm.s32 $_tile_overlayer_lowered  }
0x9b: {  	s22 =	simm.s32 $0x1BFF;
	s21 =	sshll.u32 s6, $0x1;
	s3 =	sadd.s32 s4, s19  }
0x9c: {  	s7 =	simm.s32 $0x0;
	s20 =	sshll.u32 s5, $0x1;
	s5 =	sadd.s32 s21, s3  }
0x9d: {  	[timem:s7], [sflag:s22] =	dma.local [hbm:s5], s20  }
0x9e: {  	_ =	swait.ge [sflag:s22], s20  }
0x9f: {  	s4 =	ssub.s32 $0x0, s20;
	[sflag:s22] =	ssyncset.done $0x0  }
0xa0: {  	[sflag:s22] =	ssyncadd.s32 s4;
	_ =	sdelay $0x1  }
0xa1: {  	s23 =	simm.s32 $0x1B8B  }
0xa2: {  	_ =	swait.ge [sflag:s23], $0x1  }
0xa3: {  	[sflag:s23] =	ssyncset.done $0x0  }
0xa4: {  	s25 =	simm.s32 $0x1B8E;
	s24 =	sld [smem:$0x3FFE];
	[sflag:s23] =	ssyncadd.s32 $0xFFFFFFFF  }
0xa5: {  	s26 =	simm.s32 $execute0_lowered;
	[smem:$0x3FD2] =	sst s25  }
0xa6: {  	s5 =	sshll.u32 s26, $0x1;
	_ =	strace $0x80000046;
	[dreg:$0x1] =	wrdreg $0xFFFFFFFF  }
0xa7: {  	s28 =	simm.s32 $_size_execute0_lowered;
	s3 =	sadd.s32 s3, s5;
	[dreg:$0x0] =	wrdreg $0x0  }
0xa8: {  	s5 =	sshll.u32 s28, $0x1;
	[dreg:$0x2] =	wrdreg s3  }
0xa9: {  	[dreg:$0x3] =	wrdreg s5  }
0xaa: {  	[dreg:$0x4] =	wrdreg $0xC0  }
0xab: {  	_ =	task [dreg:s7], $0x5FFFF  }
0xac: {  	[dreg:$0x1] =	wrdreg $0xFFFFFFFF  }
0xad: {  	[dreg:$0x0] =	wrdreg $0x60  }
0xae: {  	[dreg:$0x2] =	wrdreg s24  }
0xaf: {  	[dreg:$0x3] =	wrdreg s2  }
0xb0: {  	[dreg:$0x4] =	wrdreg $0x9  }
0xb1: {  	_ =	task.clear_ibuf [dreg:s7], $0x5FFFF;
	_ =	strace $0x90000046  }
0xb2: {  	s29 =	simm.s32 $0x9;
	_ =	strace $0x80000048  }
0xb3: {  	_ =	swait.ge [sflag:s29], $0x1  }
0xb4: {  	[sflag:s29] =	ssyncadd.s32 $0xFFFFFFFF  }
0xb5: {  	_ =	strace $0x90000048  }
0xb6: {  	_ =	sfence  }
0xb7: {  	s30 =	sld [smem:$0x0];
	_ =	sdelay $0x2  }
0xb8: {  	s31 =	sshll.u32 s1, $0xD;
	s1 =	sshrl.u32 s1, $0x2  }
0xb9: {  	s3 =	sand.u32 $0x4000, s31;
	s1 =	sadd.s32 s1, s30  }
0xba: {  	s0 =	sor.u32 s3, s0;
	s1 =	sshll.u32 s1, $0x11  }
0xbb: {  	s0 =	sor.u32 s1, s0  }
0xbc: {  	s0 =	sadd.s32 $0x8F2B, s0  }
0xbd: {  	[sflag:s0] =	ssyncadd.remote.s32 $0x1  }
0xbe: {  	_ =	sfence.sel $0xFFFF  }
0xbf: {  	[dreg:$0x0] =	wrdreg $0xFFFFFFFF;
	(pc) =	sbr.abs _section_cstart, $3  }
0xc0: {  	[dreg:$0x1] =	wrdreg $0xFFFFFFFF  }
0xc1: {  	_ =	task.clear_ibuf [dreg:s7], $0x2FFFF;
	_ =	strace $0x9FFFFFFF  }
0xc2: {  	(tm) =	ssettm $0x7FFFFFFF  }
0xc3: {  	_ =	shalt  }
tec
execute0_lowered:
.L_overlay_start_1:
0x0: {  	(tag) =	ssettag $0x1  }
0x1: {  	s1 =	srdreg.scid;
	s0 =	stileid.u32  }
0x2: {  	s6 =	rddreg [dreg:$0x0];
	s5 =	sand.u32 $0x1, s1;
	s30 =	sshll.u32 s0, $0x1  }
0x3: {  	s2 =	rddreg [dreg:$0x1];
	s4 =	simm.s32 $0x0;
	s1 =	sor.u32 s5, s30  }
0x4: {  	s9 =	simm.s32 $0x1;
	[smem:$0x7FF] =	sst s4;
	s3 =	smul.u32 $0xA00, s1  }
0x5: {  	s10 =	simm.s32 $0x0;
	s5 =	ssub.s32 $0x2, s5;
	s1 =	rddreg [dreg:$0x2]  }
0x6: {  	s8 =	sshrl.u32 s5, $0x1;
	_ =	strace $0x80000047;
	s7 =	sshrl.u32 s3, $0x3  }
0x7: {  	v1 =	vlaneseq.u32;
	s31 =	ssub.s32 s5, s8;
	s8 =	simm.s32 $0xA00;
	s6 =	sadd.s32 s7, s6  }
0x8: {  	v0 =	vimm.f32 $0.0e+00;
	v2 =	vimm.f32 $1.000000000e+00;
	v1 =	vmul.u32 $0x3E8, v1;
	s7 =	simm.s32 $0x2;
	s5 =	sadd.s32 $0x800, s6;
	s6 =	smax.u32 s31, $0x1  }
.LBB2_1:
0x9: {  	[tilespmem:s4], [sflag:$0x2] =	stream.linear.gather [hbm4b:s5+s4], $0xA00, $0x38;
	[tilespmem:$0x1FE00] =	vst v63  }
0xa: {  	_ =	swait.ge [sflag:s7], $0xA00  }
0xb: {  	[sflag:s7] =	ssyncset.done $0x0  }
0xc: {  	s11 =	simm.s32 $0x40;
	s12 =	simm.s32 $0x0;
	[sflag:s7] =	ssyncadd.s32 $0xFFFFF600  }
.LBB2_2:
0xd: {  	p0 =	sne.s32 s11, $0x7CFC0;
	[tilespmem:s12+$0xA00] =	vst v0;
	s12 =	smov.u32 s11;
	s11 =	sadd.s32 $0x40, s11  }
.Ltmp0:
0xe: {  	(pc) =	sbr.rel @p0 .LBB2_2-.Ltmp0, $2  }
0xf: {  	_ =	sdelay $0x2  }
0x10: {  	s12 =	sshra.s32 s12, $0x2  }
0x11: {  	[tilespmem:s12+$0xA00] =	vst v0;
	s11 =	simm.s32 $0x0;
	s12 =	simm.s32 $0x0;
	s13 =	simm.s32 $0x0  }
.LBB2_4:
0x12: {  	v3 =	vld [tilespmem:s12+$0x0];
	v4 =	vmov s11;
	s14 =	simm.s32 $0x10;
	s15 =	smov.u32 s12  }
.LBB2_5:
0x13: {  	p0 =	sne.s32 s14, $0x70;
	v4 =	vmul.u32 $0x3E8, v4;
	_ =	sdelay $0x1  }
0x14: {  	v4 =	vbroadcast v4, $0x0;
	_ =	sdelay $0x1  }
0x15: {  	v3 =	vadd.s32 v3, v4  }
0x16: {  	v3 =	vadd.s32 v1, v3;
	_ =	sdelay $0x1  }
.Ltmp1:
0x17: {  	(pc) =	sbr.rel @p0 .LBB2_5-.Ltmp1, $3  }
0x18: {  	_ =	sdelay $0x1  }
0x19: {  	s15 =	sadd.s32 $0x10, s15;
	[tilespmem:v3+s8+$0x0] =	vst.idx.msk $0xffff, v2  }
0x1a: {  	v4 =	vmov s14;
	s14 =	sadd.s32 $0x10, s14;
	v3 =	vld [tilespmem:s15+$0x0]  }
0x1b: {  	v4 =	vmul.u32 $0x3E8, v4;
	_ =	sdelay $0x1  }
0x1c: {  	v4 =	vbroadcast v4, $0x0;
	_ =	sdelay $0x1  }
0x1d: {  	v3 =	vadd.s32 v3, v4  }
0x1e: {  	v3 =	vadd.s32 v1, v3  }
0x1f: {  	s14 =	sshll.u32 s13, $0x7  }
0x20: {  	s14 =	sadd.s32 s3, s14  }
0x21: {  	s14 =	smul.u32 $0x7D, s14;
	_ =	sdelay $0x1  }
0x22: {  	s15 =	simm.s32 $0x0;
	s14 =	sadd.s32 s2, s14;
	[tilespmem:v3+s8+$0x0] =	vst.idx.msk $0xffff, v2  }
0x23: {  	[hbm4b:s14+s15] =	stream.linear.scatter [tilespmem:s8], [sflag:$0x1], $0x1F400, $0x38;
	[tilespmem:$0x1FE00] =	vst v63  }
0x24: {  	_ =	swait.ge [sflag:s9], $0x1F400  }
0x25: {  	[sflag:s9] =	ssyncset.done $0x0  }
0x26: {  	[sflag:s9] =	ssyncadd.s32 $0xFFFE0C00  }
0x27: {  	v4 =	vmov s15;
	s14 =	simm.s32 $0x10;
	s15 =	smov.u32 s12;
	v3 =	vld [tilespmem:s12+$0x0]  }
.LBB2_7:
0x28: {  	p0 =	sne.s32 s14, $0x70;
	v4 =	vmul.u32 $0x3E8, v4;
	_ =	sdelay $0x1  }
0x29: {  	v4 =	vbroadcast v4, $0x0;
	_ =	sdelay $0x1  }
0x2a: {  	v3 =	vadd.s32 v3, v4  }
0x2b: {  	v3 =	vadd.s32 v1, v3;
	_ =	sdelay $0x1  }
.Ltmp2:
0x2c: {  	(pc) =	sbr.rel @p0 .LBB2_7-.Ltmp2, $3  }
0x2d: {  	_ =	sdelay $0x1  }
0x2e: {  	s15 =	sadd.s32 $0x10, s15;
	[tilespmem:v3+s8+$0x0] =	vst.idx.msk $0xffff, v0  }
0x2f: {  	v4 =	vmov s14;
	s14 =	sadd.s32 $0x10, s14;
	v3 =	vld [tilespmem:s15+$0x0]  }
0x30: {  	v4 =	vmul.u32 $0x3E8, v4;
	_ =	sdelay $0x1  }
0x31: {  	v4 =	vbroadcast v4, $0x0;
	_ =	sdelay $0x1  }
0x32: {  	s13 =	sadd.s32 $0x1, s13;
	v3 =	vadd.s32 v3, v4  }
0x33: {  	p0 =	sne.s32 s13, $0x14;
	v3 =	vadd.s32 v1, v3  }
.Ltmp3:
0x34: {  	_ = 	snop;
	(pc) =	sbr.rel @p0 .LBB2_4-.Ltmp3, $2  }
0x35: {  	_ =	sdelay $0x2  }
0x36: {  	s12 =	sadd.s32 $0x80, s12;
	[tilespmem:v3+s8+$0x0] =	vst.idx.msk $0xffff, v0  }
0x37: {  	s10 =	sadd.s32 $0x1, s10  }
0x38: {  	p0 =	sne.s32 s10, s6  }
.Ltmp4:
0x39: {  	_ = 	snop;
	(pc) =	sbr.rel @p0 .LBB2_1-.Ltmp4, $1  }
0x3a: {  	_ =	sdelay $0x3  }
0x3b: {  	_ =	sfence.sel $0x180000  }
0x3c: {  	[bflag:$0x0] =	sbarrier.arrive $0xFFFF  }
0x3d: {  	p0 =	sne.s32 s0, $0x0;
	_ =	strace $0x90000047  }
0x3e: {  	s0 =	sadd.s32 @!p0 $0x100000, s1;
	[bflag:$0x2] =	sbarrier.arrive $0xFFFF  }
0x3f: {  	[sflag:s0] =	ssyncadd.tile.s32 @!p0 $0x1;
	_ =	shalt  }
.Lfunc_end2:
_tile_overlayer_lowered:
.L_overlay_start_2:
0x40: {  	(tag) =	ssettag $0x2  }
0x41: {  	s0 =	rddreg [dreg:$0x0];
	s2 =	stileid.u32  }
0x42: {  	s1 =	rddreg [dreg:$0x1];
	p0 =	sne.s32 s2, $0x0  }
0x43: {  	s3 =	rddreg [dreg:$0x2];
	[bflag:$0x3] =	sbarrier.arrive $0xFFFF;
	s2 =	simm.s32 @!p0 $0x1C02  }
0x44: {  	[timem:s3], [sflag:s2] =	dma.local @!p0 [hbm:s0], s1  }
0x45: {  	s0 =	simm.s32 @!p0 $0x2  }
0x46: {  	_ =	swait.ge @!p0 [sflag:s0], s1  }
0x47: {  	s1 =	ssub.s32 @!p0 $0x0, s1;
	[sflag:s0] =	ssyncset.done @!p0 $0x0  }
0x48: {  	[sflag:s0] =	ssyncadd.s32 @!p0 s1  }
0x49: {  	[bflag:$0x3] =	sbarrier.arrive $0xFFFF  }
0x4a: {  	_ =	shalt  }

// kernel: sparse-core-data-format-call.cloned.1.call-start
scs
called_computation_lowered:
.L_overlay_start_0:
0x0: {  	s2 =	sld [smem:$0x3FD9]  }
0x1: {  	s3 =	sld [smem:$0x3FFE];
	_ =	sdelay $0x1  }
0x2: {  	s1 =	srdreg.scid  }
0x3: {  	s0 =	sand.u32 $0x1, s1  }
0x4: {  	s18 =	sshll.u32 s0, $0xA;
	s2 =	sadd.s32 s3, s2  }
0x5: {  	s2 =	sadd.s32 s2, s18  }
0x6: {  	[smem:$0x3FC7] =	sst s2  }
0x7: {  	_ = 	snop  }
0x8: {  	s2 =	sld [smem:$0x3FD0];
	(tm) =	ssettm $0x1  }
0x9: {  	s19 =	sld [smem:$0x3FFB];
	_ =	sdelay $0x3  }
0xa: {  	_ =	strace s19  }
0xb: {  	s3 =	sld [smem:$0x3FFC];
	_ =	sdelay $0x3  }
0xc: {  	_ =	strace s3  }
0xd: {  	s3 =	sld [smem:$0x3FFD];
	_ =	sdelay $0x3  }
0xe: {  	_ =	strace s3  }
0xf: {  	_ =	strace $0x8FFFFFFF  }
0x10: {  	s20 =	sld [smem:$0x3FDB];
	_ =	sdelay $0x1  }
0x11: {  	s4 =	simm.s32 $_scs_section_size  }
0x12: {  	s5 =	simm.s32 $_size__tile_overlayer_lowered;
	s6 =	simm.s32 $_tile_overlayer_lowered  }
0x13: {  	s23 =	simm.s32 $0x1BFF;
	s22 =	sshll.u32 s6, $0x1;
	s3 =	sadd.s32 s4, s20  }
0x14: {  	s7 =	simm.s32 $0x0;
	s21 =	sshll.u32 s5, $0x1;
	s5 =	sadd.s32 s22, s3  }
0x15: {  	[timem:s7], [sflag:s23] =	dma.local [hbm:s5], s21  }
0x16: {  	_ =	swait.ge [sflag:s23], s21  }
0x17: {  	s4 =	ssub.s32 $0x0, s21;
	[sflag:s23] =	ssyncset.done $0x0  }
0x18: {  	[sflag:s23] =	ssyncadd.s32 s4;
	_ =	sdelay $0x1  }
0x19: {  	s24 =	simm.s32 $0x1B8B  }
0x1a: {  	_ =	swait.ge [sflag:s24], $0x1  }
0x1b: {  	[sflag:s24] =	ssyncset.done $0x0  }
0x1c: {  	s26 =	simm.s32 $0x1B8E;
	s25 =	sld [smem:$0x3FFE];
	[sflag:s24] =	ssyncadd.s32 $0xFFFFFFFF  }
0x1d: {  	s27 =	simm.s32 $execute0_lowered;
	[smem:$0x3FD2] =	sst s26  }
0x1e: {  	s5 =	sshll.u32 s27, $0x1;
	_ =	strace $0x80000049;
	[dreg:$0x1] =	wrdreg $0xFFFFFFFF  }
0x1f: {  	s28 =	simm.s32 $_size_execute0_lowered;
	s3 =	sadd.s32 s3, s5;
	[dreg:$0x0] =	wrdreg $0x0  }
0x20: {  	s5 =	sshll.u32 s28, $0x1;
	[dreg:$0x2] =	wrdreg s3  }
0x21: {  	[dreg:$0x3] =	wrdreg s5  }
0x22: {  	[dreg:$0x4] =	wrdreg $0xC0  }
0x23: {  	_ =	task [dreg:s7], $0x5FFFF  }
0x24: {  	[dreg:$0x1] =	wrdreg $0xFFFFFFFF  }
0x25: {  	[dreg:$0x0] =	wrdreg $0x60  }
0x26: {  	[dreg:$0x2] =	wrdreg s25  }
0x27: {  	[dreg:$0x3] =	wrdreg s2  }
0x28: {  	[dreg:$0x4] =	wrdreg $0x9  }
0x29: {  	_ =	task.clear_ibuf [dreg:s7], $0x5FFFF;
	_ =	strace $0x90000049  }
0x2a: {  	s29 =	simm.s32 $0x9;
	_ =	strace $0x8000004B  }
0x2b: {  	_ =	swait.ge [sflag:s29], $0x1  }
0x2c: {  	[sflag:s29] =	ssyncadd.s32 $0xFFFFFFFF  }
0x2d: {  	_ =	strace $0x9000004B  }
0x2e: {  	_ =	sfence  }
0x2f: {  	s30 =	sld [smem:$0x0];
	_ =	sdelay $0x2  }
0x30: {  	s31 =	sshll.u32 s1, $0xD;
	s1 =	sshrl.u32 s1, $0x2  }
0x31: {  	s3 =	sand.u32 $0x4000, s31;
	s1 =	sadd.s32 s1, s30  }
0x32: {  	s0 =	sor.u32 s3, s0;
	s1 =	sshll.u32 s1, $0x11  }
0x33: {  	s0 =	sor.u32 s1, s0  }
0x34: {  	s0 =	sadd.s32 $0x8F2B, s0  }
0x35: {  	[sflag:s0] =	ssyncadd.remote.s32 $0x1  }
0x36: {  	_ =	sfence.sel $0xFFFF  }
0x37: {  	[dreg:$0x0] =	wrdreg $0xFFFFFFFF;
	(pc) =	sbr.abs _section_cstart, $3  }
0x38: {  	[dreg:$0x1] =	wrdreg $0xFFFFFFFF  }
0x39: {  	_ =	task.clear_ibuf [dreg:s7], $0x2FFFF;
	_ =	strace $0x9FFFFFFF  }
0x3a: {  	(tm) =	ssettm $0x7FFFFFFF  }
0x3b: {  	_ =	shalt  }
tec
execute0_lowered:
.L_overlay_start_1:
0x0: {  	(tag) =	ssettag $0x1  }
0x1: {  	s0 =	srdreg.scid;
	s6 =	rddreg [dreg:$0x0]  }
0x2: {  	s3 =	rddreg [dreg:$0x1];
	s1 =	sshll.u32 s0, $0x4  }
0x3: {  	s5 =	simm.s32 $0x1;
	s0 =	stileid.u32;
	s1 =	sand.u32 $0x10, s1  }
0x4: {  	s31 =	simm.s32 $0x2;
	s16 =	simm.s32 $0x0;
	s1 =	sor.u32 s0, s1  }
0x5: {  	s8 =	simm.s32 $0x8000;
	s18 =	simm.s32 $0x0;
	s2 =	sshll.u32 s1, $0x7  }
0x6: {  	s17 =	simm.s32 $0x0;
	s9 =	simm.s32 $0x0;
	s4 =	ssub.s32 $0x1000, s2  }
0x7: {  	s10 =	simm.s32 $0x0;
	s11 =	simm.s32 $0x0;
	s30 =	sand.u32 $0xF80, s4  }
0x8: {  	s12 =	simm.s32 $0x0;
	s13 =	simm.s32 $0x0;
	p0 =	sne.s32 s30, $0x0  }
.Ltmp0:
0x9: {  	s7 =	sshrl.u32 s4, $0xC;
	s5 =	simm.s32 @!p0 $0x0;
	(pc) =	sbr.rel .LBB1_1-.Ltmp0, $4  }
0xa: {  	s15 =	simm.s32 $0x0;
	s1 =	rddreg [dreg:$0x2];
	s5 =	sadd.s32 s5, s7  }
0xb: {  	_ =	strace $0x8000004A;
	s4 =	simm.s32 $0x1;
	s5 =	smul.u32 $0xA0, s5  }
0xc: {  	s6 =	sadd.s32 $0x800, s6;
	s14 =	smov.u32 s2;
	[sflag:s4] =	ssyncpa.u1 $0x0  }
0xd: {  	[sflag:s31] =	ssyncpa.u1 $0x0;
	p0 =	por $0x0, $0x0;
	s7 =	sor.u32 $0x1, s5  }
.LBB1_4:
0xe: {  	s23 =	sshra.s32 s23, $0x2;
	s30 =	sshll.u32 s9, $0xC  }
0xf: {  	p1 =	sgt.s32 s10, $0x13;
	s24 =	smov.u32 s10;
	s25 =	sshra.s32 s10, $0x1F  }
0x10: {  	s26 =	sshll.u32 s11, $0x3;
	s28 =	smov.u32 s11;
	s29 =	sshra.s32 s11, $0x1F  }
0x11: {  	s22 =	sadd.s32 s23, s22;
	s24 =	simm.s32 @!p1 $0x13;
	s25 =	sand.u32 s25, s10  }
0x12: {  	s23 =	sand.u32 $0xFFFF8000, s30;
	s27 =	sand.u32 $0xFFFFFC00, s26;
	p1 =	sgt.s32 s9, $0x368  }
0x13: {  	s31 =	sand.u32 s29, s11;
	s29 =	sshll.u32 s9, $0x7;
	s30 =	sshra.s32 s9, $0x1F  }
0x14: {  	[tilespmem:s21+$0x2040 ss:$0x81] =	vst.msk $0xffff, v4;
	s24 =	ssub.s32 s24, s25;
	s23 =	sadd.s32 s27, s23;
	s27 =	smov.u32 s9  }
0x15: {  	[tilespmem:s21+$0x2850 ss:$0x81] =	vst.msk $0xffff, v3;
	s29 =	sand.u32 $0x380, s29;
	s25 =	sadd.s32 $0xFFFFFFED, s24;
	s27 =	simm.s32 @!p1 $0x368  }
0x16: {  	v5 =	vld [tilespmem:s20+$0xFFFFFFD0];
	[tilespmem:s21+$0x3060 ss:$0x81] =	vst.msk $0xffff, v2;
	p1 =	sgt.s32 s11, $0xF80;
	s23 =	sshrl.u32 s23, $0xC;
	s24 =	ssub.s32 $0x14, s24  }
0x17: {  	v58 =	vld [tilespmem:s20+$0xFFFFFFE0];
	[tilespmem:s21+$0x0 ss:$0x81] =	vst.msk $0xffff, v1;
	s28 =	simm.s32 @!p1 $0xF80;
	p1 =	sgt.s32 s25, $0x0;
	s21 =	smulhi.u32 $0x418938, s23  }
0x18: {  	v59 =	vld [tilespmem:s20+$0xFFFFFFF0];
	s25 =	ssub.s32 s28, s31;
	s28 =	sand.u32 s30, s9;
	s24 =	simm.s32 @p1 $0x0  }
0x19: {  	v60 =	vld [tilespmem:s20+$0x0];
	s27 =	ssub.s32 s27, s28;
	s31 =	sadd.s32 $0xFFFFF080, s25;
	s25 =	ssub.s32 $0x1000, s25  }
0x1a: {  	v61 =	vld [tilespmem:s20+$0x10];
	[tilespmem:s22+$0x3870 ss:$0x81] =	vst.msk $0xffff, v0;
	s21 =	smul.u32 $0x3E8, s21;
	s28 =	sand.u32 $0x7, s11;
	p1 =	sgt.s32 s31, $0x7F  }
0x1b: {  	v62 =	vld [tilespmem:s20+$0x20];
	[tilespmem:s22+$0x810 ss:$0x81] =	vst.msk $0xffff, v5;
	s30 =	sadd.s32 $0xFFFFFC98, s27;
	s31 =	sand.u32 $0x78, s11;
	s25 =	simm.s32 @p1 $0x0  }
0x1c: {  	v63 =	vld [tilespmem:s20+$0xFFFFFFC0];
	[tilespmem:s22+$0x1020 ss:$0x81] =	vst.msk $0xffff, v58;
	p1 =	sgt.s32 s30, $0x7F;
	s30 =	sand.u32 $0xC00, s26;
	s24 =	smul.u32 s25, s24  }
0x1d: {  	[tilespmem:s22+$0x1830 ss:$0x81] =	vst.msk $0xffff, v59;
	s26 =	ssub.s32 $0x3E8, s27;
	s20 =	sor.u32 s31, s30;
	s31 =	smul.u32 $0x7D000, s10  }
0x1e: {  	[tilespmem:s22+$0x2040 ss:$0x81] =	vst.msk $0xffff, v60;
	s21 =	ssub.s32 s23, s21;
	s26 =	simm.s32 @p1 $0x0;
	s20 =	sor.u32 s29, s20  }
0x1f: {  	[tilespmem:s22+$0x2850 ss:$0x81] =	vst.msk $0xffff, v61;
	s26 =	smul.u32 s26, s24;
	s20 =	sshrl.u32 s20, $0x3;
	s27 =	sadd.s32 s3, s31  }
0x20: {  	[tilespmem:s22+$0x3060 ss:$0x81] =	vst.msk $0xffff, v62;
	s21 =	sshll.u32 s21, $0x9;
	s29 =	sshll.u32 s28, $0x12;
	s20 =	sadd.s32 s20, s27  }
0x21: {  	[tilespmem:s22+$0x0 ss:$0x81] =	vst.msk $0xffff, v63;
	s31 =	sor.u32 $0x400, s29;
	s30 =	sand.u32 $0x3FFFFFFF, s26;
	s20 =	sadd.s32 s21, s20  }
0x22: {  	[hbm4b:s20+s31] =	stream.strided.scatter [tilespmem:s19], [sflag:$0x2], s30, s8, s31, $0x20;
	[tilespmem:$0x10100] =	vst v63  }
.LBB1_5:
0x23: {  	p1 =	slt.u32 s15, $0x2  }
0x24: {  	p2 =	sgt.s32 @!p1 s18, $0x13  }
0x25: {  	s19 =	smov.u32 s18;
	s20 =	sshra.s32 @!p1 s18, $0x1F;
	p2 =	por !p2, p1  }
0x26: {  	s18 =	sand.u32 @!p1 s20, s18;
	s19 =	simm.s32 @p2 $0x13  }
0x27: {  	p3 =	sgt.s32 @!p1 s16, $0x368;
	s18 =	ssub.s32 @!p1 s19, s18  }
0x28: {  	p4 =	sgt.s32 @!p1 s17, $0xF80;
	s21 =	sshra.s32 @!p1 s17, $0x1F;
	s19 =	sadd.s32 @!p1 $0xFFFFFFED, s18  }
0x29: {  	s20 =	smov.u32 s16;
	p2 =	sgt.s32 @!p1 s19, $0x0;
	s19 =	sshra.s32 @!p1 s16, $0x1F  }
0x2a: {  	p4 =	por !p4, p1;
	s16 =	sand.u32 @!p1 s19, s16;
	s19 =	smov.u32 s17  }
0x2b: {  	p3 =	por !p3, p1;
	s17 =	sand.u32 @!p1 s21, s17;
	s19 =	simm.s32 @p4 $0xF80  }
0x2c: {  	s20 =	simm.s32 @p3 $0x368;
	s18 =	ssub.s32 @!p1 $0x14, s18;
	s17 =	ssub.s32 @!p1 s19, s17  }
0x2d: {  	p2 =	por !p2, p1;
	s16 =	ssub.s32 @!p1 s20, s16;
	s20 =	sadd.s32 @!p1 $0xFFFFF080, s17  }
0x2e: {  	s18 =	simm.s32 @!p2 $0x0;
	p3 =	sgt.s32 @!p1 s20, $0x7F  }
0x2f: {  	s19 =	sadd.s32 @!p1 $0xFFFFFC98, s16;
	s17 =	ssub.s32 @!p1 $0x1000, s17;
	p3 =	por !p3, p1  }
0x30: {  	p2 =	sgt.s32 @!p1 s19, $0x7F;
	s19 =	sadd.s32 $0x80, s12;
	s17 =	simm.s32 @!p3 $0x0  }
0x31: {  	p3 =	sgt.s32 s19, $0x3E7;
	s17 =	smul.u32 @!p1 s17, s18;
	s18 =	simm.s32 $0x1  }
0x32: {  	s16 =	ssub.s32 @!p1 $0x3E8, s16;
	p2 =	por !p2, p1;
	s18 =	simm.s32 @!p3 $0x0  }
0x33: {  	s21 =	smov.u32 s14;
	s16 =	simm.s32 @!p2 $0x0;
	s20 =	sadd.s32 s18, s13  }
0x34: {  	s16 =	smul.u32 @!p1 s16, s17;
	s17 =	sadd.s32 $0x1000, s14;
	p2 =	sgt.s32 s20, $0x13  }
0x35: {  	p0 =	por !p0, !p0;
	s22 =	simm.s32 @!p1 $0x2;
	s21 =	smov.u32 @p2 s17  }
0x36: {  	s19 =	simm.s32 @p3 $0x0;
	s20 =	simm.s32 @p2 $0x0;
	p2 =	sgt.s32 s21, $0xFFF  }
0x37: {  	s18 =	smov.u32 s10;
	s21 =	smov.u32 @p2 s2;
	p2 =	sne.s32 s15, s7  }
.Ltmp1:
0x38: {  	s10 =	smov.u32 s13;
	s16 =	sand.u32 @!p1 $0x3FFFFFFF, s16;
	(pc) =	sbr.rel @!p2 .LBB1_6-.Ltmp1, $4  }
0x39: {  	s17 =	smov.u32 s11;
	s11 =	smov.u32 s14;
	_ =	swait.ge @!p1 [sflag:s22], s16  }
0x3a: {  	s23 =	ssub.s32 @!p1 $0x0, s16;
	s16 =	smov.u32 s9;
	s9 =	smov.u32 s12  }
0x3b: {  	s12 =	smov.u32 s19;
	s13 =	smov.u32 s20;
	[sflag:s22] =	ssyncset.done @!p1 $0x0  }
0x3c: {  	s15 =	sadd.s32 $0x1, s15;
	[sflag:s22] =	ssyncadd.s32 @!p1 s23;
	s14 =	smov.u32 s21  }
.LBB1_1:
0x3d: {  	p1 =	sge.u32 s15, s5  }
0x3e: {  	s19 =	sshll.u32 @!p1 s13, $0xA  }
0x3f: {  	s20 =	sshll.u32 @!p1 s12, $0x3;
	s19 =	sand.u32 @!p1 $0xFFFFE000, s19  }
0x40: {  	s19 =	sadd.s32 @!p1 s19, s20  }
0x41: {  	s19 =	sshrl.u32 @!p1 s19, $0xA  }
0x42: {  	s20 =	smulhi.u32 @!p1 $0xAAAAAAB, s19  }
0x43: {  	s21 =	sshll.u32 @!p1 s13, $0x7;
	s23 =	smul.u32 @!p1 $0xC00, s14  }
0x44: {  	s22 =	sand.u32 @!p1 $0x78, s12;
	s21 =	sand.u32 @!p1 $0x380, s21;
	s20 =	smul.u32 @!p1 $0x18, s20  }
0x45: {  	s31 =	sadd.s32 $0xFFFFFFFF, s15;
	s21 =	sor.u32 @!p1 s22, s21;
	s22 =	sadd.s32 @!p1 s6, s23  }
0x46: {  	s21 =	sshrl.u32 @!p1 s21, $0x3;
	s19 =	ssub.s32 @!p1 s19, s20;
	s20 =	sxor.u32 @!p1 $0xFFFFFFFF, s15  }
0x47: {  	s21 =	sadd.s32 @!p1 s21, s22;
	s22 =	sand.u32 @!p1 $0x7, s12;
	s20 =	sshll.u32 @!p1 s20, $0xE  }
0x48: {  	s22 =	sshll.u32 @!p1 s22, $0x12;
	s19 =	sshll.u32 @!p1 s19, $0x7;
	s20 =	sand.u32 @!p1 $0x4000, s20  }
0x49: {  	s19 =	sadd.s32 @!p1 s19, s21;
	s21 =	sor.u32 @!p1 $0x80, s22;
	s22 =	simm.s32 @!p1 $0x6000  }
0x4a: {  	[tilespmem:s20], [sflag:$0x1] =	stream.strided.gather @!p1 [hbm4b:s19+s21], $0x4000, s22, s21, $0x38;
	[tilespmem:$0x10100] =	vst v63  }
0x4b: {  	p1 =	sge.u32 s31, s5  }
.Ltmp2:
0x4c: {  	_ = 	snop;
	(pc) =	sbr.rel @p1 .LBB1_5-.Ltmp2, $1  }
0x4d: {  	_ =	sdelay $0x3  }
0x4e: {  	s19 =	simm.s32 $0x1  }
0x4f: {  	_ =	swait.ge [sflag:s4], $0x4000;
	s19 =	simm.s32 @!p0 $0x0  }
0x50: {  	[sflag:s4] =	ssyncset.done $0x0;
	s20 =	sshll.u32 s19, $0xE  }
0x51: {  	[sflag:s4] =	ssyncadd.s32 $0xFFFFC000;
	s20 =	sor.u32 $0x40, s20  }
0x52: {  	s19 =	smul.u32 $0x10200, s19;
	v0 =	vld [tilespmem:s20+$0x30]  }
0x53: {  	v1 =	vld [tilespmem:s20+$0xFFFFFFD0]  }
0x54: {  	s19 =	sshrl.u32 s19, $0x2;
	v5 =	vld [tilespmem:s20+$0xFFFFFFE0]  }
0x55: {  	v6 =	vld [tilespmem:s20+$0xFFFFFFF0];
	s22 =	sor.u32 $0x8000, s19  }
0x56: {  	s31 =	sand.u32 $0x1, s15;
	v4 =	vld [tilespmem:s20+$0x0];
	s21 =	sadd.s32 $0x0, s22  }
0x57: {  	v3 =	vld [tilespmem:s20+$0x10];
	s19 =	smul.u32 $0x10200, s31;
	[tilespmem:s21+$0x3870 ss:$0x81] =	vst.msk $0xffff, v0  }
0x58: {  	v2 =	vld [tilespmem:s20+$0x20];
	[tilespmem:s21+$0x810 ss:$0x81] =	vst.msk $0xffff, v1  }
0x59: {  	s19 =	sshrl.u32 s19, $0x2;
	v1 =	vld [tilespmem:s20+$0xFFFFFFC0];
	[tilespmem:s21+$0x1020 ss:$0x81] =	vst.msk $0xffff, v5;
	s20 =	sadd.s32 $0x80, s20  }
0x5a: {  	s23 =	simm.s32 $0x4;
	s24 =	simm.s32 $0x8;
	s19 =	sor.u32 $0x8000, s19;
	[tilespmem:s21+$0x1830 ss:$0x81] =	vst.msk $0xffff, v6;
	v0 =	vld [tilespmem:s20+$0x30]  }
.LBB1_3:
0x5b: {  	p1 =	sne.s32 s24, $0x1FC;
	v5 =	vld [tilespmem:s20+$0xFFFFFFD0];
	[tilespmem:s21+$0x2040 ss:$0x81] =	vst.msk $0xffff, v4  }
0x5c: {  	v6 =	vld [tilespmem:s20+$0xFFFFFFE0];
	[tilespmem:s21+$0x2850 ss:$0x81] =	vst.msk $0xffff, v3  }
0x5d: {  	s25 =	sshra.s32 s23, $0x2;
	s23 =	smov.u32 s24;
	v7 =	vld [tilespmem:s20+$0xFFFFFFF0];
	[tilespmem:s21+$0x3060 ss:$0x81] =	vst.msk $0xffff, v2  }
.Ltmp3:
0x5e: {  	v4 =	vld [tilespmem:s20+$0x0];
	[tilespmem:s21+$0x0 ss:$0x81] =	vst.msk $0xffff, v1;
	s21 =	sadd.s32 s25, s22;
	(pc) =	sbr.rel @p1 .LBB1_3-.Ltmp3, $4  }
0x5f: {  	v3 =	vld [tilespmem:s20+$0x10];
	[tilespmem:s21+$0x3870 ss:$0x81] =	vst.msk $0xffff, v0  }
0x60: {  	[tilespmem:s21+$0x810 ss:$0x81] =	vst.msk $0xffff, v5;
	v2 =	vld [tilespmem:s20+$0x20]  }
0x61: {  	v1 =	vld [tilespmem:s20+$0xFFFFFFC0];
	[tilespmem:s21+$0x1020 ss:$0x81] =	vst.msk $0xffff, v6;
	s20 =	sadd.s32 $0x80, s20  }
0x62: {  	s24 =	sadd.s32 $0x4, s24;
	v0 =	vld [tilespmem:s20+$0x30];
	[tilespmem:s21+$0x1830 ss:$0x81] =	vst.msk $0xffff, v7  }
.Ltmp4:
0x63: {  	_ = 	snop;
	(pc) =	sbr.rel .LBB1_4-.Ltmp4, $1  }
0x64: {  	_ =	sdelay $0x3  }
.LBB1_6:
0x65: {  	_ =	sfence.sel $0x180000  }
0x66: {  	s2 =	simm.s32 $0x1;
	[bflag:$0x0] =	sbarrier.arrive $0xFFFF  }
0x67: {  	s31 =	simm.s32 $0x2;
	[sflag:s2] =	ssyncpa.u1 $0x1  }
0x68: {  	[sflag:s31] =	ssyncpa.u1 $0x1  }
0x69: {  	p0 =	sne.s32 s0, $0x0;
	_ =	strace $0x9000004A  }
0x6a: {  	s0 =	sadd.s32 @!p0 $0x100000, s1;
	[bflag:$0x2] =	sbarrier.arrive $0xFFFF  }
0x6b: {  	[sflag:s0] =	ssyncadd.tile.s32 @!p0 $0x1;
	_ =	shalt  }
.Lfunc_end1:
_tile_overlayer_lowered:
.L_overlay_start_2:
0x6c: {  	(tag) =	ssettag $0x2  }
0x6d: {  	s0 =	rddreg [dreg:$0x0];
	s2 =	stileid.u32  }
0x6e: {  	s1 =	rddreg [dreg:$0x1];
	p0 =	sne.s32 s2, $0x0  }
0x6f: {  	s3 =	rddreg [dreg:$0x2];
	[bflag:$0x3] =	sbarrier.arrive $0xFFFF;
	s2 =	simm.s32 @!p0 $0x1C01  }
0x70: {  	[timem:s3], [sflag:s2] =	dma.local @!p0 [hbm:s0], s1  }
0x71: {  	s0 =	simm.s32 @!p0 $0x1  }
0x72: {  	_ =	swait.ge @!p0 [sflag:s0], s1  }
0x73: {  	s1 =	ssub.s32 @!p0 $0x0, s1;
	[sflag:s0] =	ssyncset.done @!p0 $0x0  }
0x74: {  	[sflag:s0] =	ssyncadd.s32 @!p0 s1  }
0x75: {  	[bflag:$0x3] =	sbarrier.arrive $0xFFFF  }
0x76: {  	_ =	shalt  }

</sc_bundles>
